<compile_context>
chip_gen: v7x
topology: tpu7x:2x2x1
jax: 0.10.2.dev20260603
libtpu: 0.0.44.dev20260713+nightly
codegen_flags: <defaults>
</compile_context>

<pallas_src>
import jax
import jax.numpy as jnp
from jax.experimental import pallas as pl
from jax.experimental.pallas import tpu as pltpu

B, N, D = 32, 576, 768
N_CLASSES, K = 200, 5
C = N_CLASSES + 1


def _dummy(x_ref, o_ref):
    o_ref[...] = x_ref[0, 0] + jnp.zeros_like(o_ref)


def kernel(x, prototypes, sa_weights):
    x2d = x.reshape(B * N, D)
    big = pl.pallas_call(
        _dummy,
        grid=(30,),
        out_shape=jax.ShapeDtypeStruct((144720, 128), jnp.float32),
        in_specs=[pl.BlockSpec((8, 128), lambda i: (0, 0))],
        out_specs=pl.BlockSpec((4824, 128), lambda i: (i, 0)),
    )(x2d)
    logits = big.reshape(B, N, C, K)
    img = jnp.zeros((B, C, K), jnp.float32) + x[0, 0, 0]
    cls = jnp.zeros((B, N_CLASSES), jnp.float32) + x[0, 0, 0]
    return (logits, img, cls)

# --- scband reference (transcript-rebuilt; emitter-appended) ---
"""Pipeline reference for scband-pnp-12455405159087 (READ-ONLY COPY).

The authoritative reference and input builder live on the scoring server;
editing this copy changes nothing except your own understanding.
"""

import jax, jax.numpy as jnp
import numpy as np

B, N, D = 32, 576, 768
N_CLASSES, K = 200, 5
C = N_CLASSES + 1
TEMPERATURE = 0.2
SA_INIT = 0.5

def setup_inputs(seed: int = 0) -> dict:
    key = jax.random.key(seed)
    k1, k2 = jax.random.split(key)
    # x plays the role of backbone patch_tokens output: float32[B, N, D]
    x = jax.random.normal(k1, (B, N, D), dtype=jnp.float32)
    # prototypes buffer: trunc_normal(std=0.02) approximated with scaled normal
    prototypes = jax.random.normal(k2, (C, K, D), dtype=jnp.float32) * 0.02
    # ScoreAggregation weights initialized to sa_init
    sa_weights = jnp.full((N_CLASSES, K), SA_INIT, dtype=jnp.float32)
    return {"x": x, "prototypes": prototypes, "sa_weights": sa_weights}

def _l2_normalize(t, axis=-1, eps=1e-12):
    n = jnp.linalg.norm(t, axis=axis, keepdims=True)
    return t / jnp.maximum(n, eps)

def reference(x, prototypes, sa_weights):
    # backbone stubbed as identity: patch_tokens = x
    patch_tokens = _l2_normalize(x, axis=-1)
    prototype_norm = _l2_normalize(prototypes, axis=-1)
    # einsum 'B N D, C K D -> B N C K'
    patch_prototype_logits = jnp.einsum('bnd,ckd->bnck', patch_tokens, prototype_norm)
    # max over patches
    image_prototype_logits = jnp.max(patch_prototype_logits, axis=1)  # [B, C, K]
    # ScoreAggregation on first n_classes
    n_prototypes = sa_weights.shape[-1]
    sa = jax.nn.softmax(sa_weights, axis=-1) * n_prototypes  # [n_classes, K]
    class_logits = jnp.sum(image_prototype_logits[:, :-1, :] * sa, axis=-1) / TEMPERATURE  # [B, n_classes]
    return (patch_prototype_logits, image_prototype_logits, class_logits)

if __name__ == "__main__":
    import jax
    _d = setup_inputs()
    print(jax.jit(kernel)(*tuple(_d.values())))

</pallas_src>

<mosaic_0001>
module attributes {stable_mosaic.version = 14 : i64} {
  func.func @_dummy(%arg0: i32, %arg1: memref<8x128xf32, #tpu.memory_space<vmem>>, %arg2: memref<4824x128xf32, #tpu.memory_space<vmem>>) attributes {dimension_semantics = [#tpu.dimension_semantics<arbitrary>], iteration_bounds = array<i64: 30>, scalar_prefetch = 0 : i64, scratch_operands = 0 : i64, tpu.core_type = #tpu.core_type<tc>, window_params = [{transform_indices = @transform_0, window_bounds = array<i64: 8, 128>}, {transform_indices = @transform_1, window_bounds = array<i64: 4824, 128>}]} {
    %get3A = arith.constant 0 : index
    %get3A_0 = arith.constant 0 : index
    %get3A_1 = vector.load %arg1[%get3A, %get3A_0] : memref<8x128xf32, #tpu.memory_space<vmem>>, vector<1x1xf32>
    %get3A_2 = vector.extract %get3A_1[0, 0] : f32 from vector<1x1xf32>
    %broadcast_in_dim3A = arith.constant 0.000000e+00 : f32
    %broadcast_in_dim3A_3 = vector.broadcast %broadcast_in_dim3A : f32 to vector<4824x128xf32>
    %add3A = vector.broadcast %get3A_2 : f32 to vector<4824x128xf32>
    %add3A_4 = arith.addf %add3A, %broadcast_in_dim3A_3 : vector<4824x128xf32>
    %swap3A = arith.constant 0 : index
    %swap3A_5 = arith.constant 0 : index
    %swap3A_6 = vector.load %arg2[%swap3A, %swap3A_5] : memref<4824x128xf32, #tpu.memory_space<vmem>>, vector<4824x128xf32>
    tpu.vector_store %arg2[%swap3A, %swap3A_5], %add3A_4 {strides = array<i32>} : memref<4824x128xf32, #tpu.memory_space<vmem>>, vector<4824x128xf32>,
    return
  }
  func.func @transform_0(%arg0: i32) -> (i32, i32) {
    %c0_i32 = arith.constant 0 : i32
    %c0_i32_0 = arith.constant 0 : i32
    %c0_i32_1 = arith.constant 0 : i32
    return %c0_i32, %c0_i32_0 : i32, i32
  }
  func.func @transform_1(%arg0: i32) -> (i32, i32) {
    %c0_i32 = arith.constant 0 : i32
    %c0_i32_0 = arith.constant 0 : i32
    return %arg0, %c0_i32 : i32, i32
  }
}

</mosaic_0001>

<sc_bundles>
// kernel: sparse-core-data-format-call.cloned.1.call-start
scs
called_computation_lowered:
.L_overlay_start_0:
0x0: {  	s2 =	sld [smem:$0x3FD9]  }
0x1: {  	s3 =	sld [smem:$0x3FFE];
	_ =	sdelay $0x1  }
0x2: {  	s1 =	srdreg.scid  }
0x3: {  	s0 =	sand.u32 $0x1, s1  }
0x4: {  	s15 =	sshll.u32 s0, $0xA;
	s2 =	sadd.s32 s3, s2  }
0x5: {  	s2 =	sadd.s32 s2, s15  }
0x6: {  	[smem:$0x3FC7] =	sst s2  }
0x7: {  	_ = 	snop  }
0x8: {  	s2 =	sld [smem:$0x3FD0];
	_ =	sdelay $0x2  }
0x9: {  	s16 =	simm.s32 $0xA;
	s4 =	simm.s32 $0x10  }
0xa: {  	[smem:s4], [sflag:s16] =	dma.local [hbm:s2], $0x1  }
0xb: {  	_ =	swait.eq [sflag:s16], $0x1  }
0xc: {  	[sflag:s16] =	ssyncset.done $0x0  }
0xd: {  	[sflag:s16] =	ssyncadd.s32 $0xFFFFFFFF  }
0xe: {  	s17 =	sld [smem:$0x10];
	(tm) =	ssettm $0x1  }
0xf: {  	s18 =	sld [smem:$0x3FFB];
	_ =	sdelay $0x3  }
0x10: {  	_ =	strace s18  }
0x11: {  	s3 =	sld [smem:$0x3FFC];
	_ =	sdelay $0x3  }
0x12: {  	_ =	strace s3  }
0x13: {  	s3 =	sld [smem:$0x3FFD];
	_ =	sdelay $0x3  }
0x14: {  	_ =	strace s3  }
0x15: {  	_ =	strace $0x8FFFFFFF  }
0x16: {  	s19 =	sld [smem:$0x3FDB];
	_ =	sdelay $0x1  }
0x17: {  	s20 =	simm.s32 $_scs_section_size  }
0x18: {  	s5 =	simm.s32 $_size__tile_overlayer_lowered;
	s6 =	simm.s32 $_tile_overlayer_lowered  }
0x19: {  	s23 =	simm.s32 $0x1BFF;
	s22 =	sshll.u32 s6, $0x1;
	s3 =	sadd.s32 s20, s19  }
0x1a: {  	s7 =	simm.s32 $0x0;
	s21 =	sshll.u32 s5, $0x1;
	s5 =	sadd.s32 s22, s3  }
0x1b: {  	[timem:s7], [sflag:s23] =	dma.local [hbm:s5], s21  }
0x1c: {  	_ =	swait.ge [sflag:s23], s21  }
0x1d: {  	s4 =	ssub.s32 $0x0, s21;
	[sflag:s23] =	ssyncset.done $0x0  }
0x1e: {  	[sflag:s23] =	ssyncadd.s32 s4;
	_ =	sdelay $0x1  }
0x1f: {  	s24 =	simm.s32 $0x1B8B  }
0x20: {  	_ =	swait.ge [sflag:s24], $0x1  }
0x21: {  	[sflag:s24] =	ssyncset.done $0x0  }
0x22: {  	s26 =	simm.s32 $0x1B8E;
	s25 =	sld [smem:$0x3FFE];
	[sflag:s24] =	ssyncadd.s32 $0xFFFFFFFF  }
0x23: {  	s27 =	simm.s32 $execute0_lowered;
	[smem:$0x3FD2] =	sst s26  }
0x24: {  	s5 =	sshll.u32 s27, $0x1;
	_ =	strace $0x80000046;
	[dreg:$0x1] =	wrdreg $0xFFFFFFFF  }
0x25: {  	s28 =	simm.s32 $_size_execute0_lowered;
	s3 =	sadd.s32 s3, s5;
	[dreg:$0x0] =	wrdreg $0x0  }
0x26: {  	s5 =	sshll.u32 s28, $0x1;
	[dreg:$0x2] =	wrdreg s3  }
0x27: {  	[dreg:$0x3] =	wrdreg s5  }
0x28: {  	[dreg:$0x4] =	wrdreg $0xC0  }
0x29: {  	_ =	task [dreg:s7], $0x5FFFF  }
0x2a: {  	[dreg:$0x1] =	wrdreg $0xFFFFFFFF  }
0x2b: {  	[dreg:$0x0] =	wrdreg $0x60  }
0x2c: {  	[dreg:$0x2] =	wrdreg s25  }
0x2d: {  	[dreg:$0x3] =	wrdreg s17  }
0x2e: {  	[dreg:$0x4] =	wrdreg $0x9  }
0x2f: {  	_ =	task.clear_ibuf [dreg:s7], $0x5FFFF;
	_ =	strace $0x90000046  }
0x30: {  	s29 =	simm.s32 $0x9;
	_ =	strace $0x80000048  }
0x31: {  	_ =	swait.ge [sflag:s29], $0x1  }
0x32: {  	[sflag:s29] =	ssyncadd.s32 $0xFFFFFFFF  }
0x33: {  	_ =	strace $0x90000048  }
0x34: {  	_ =	sfence  }
0x35: {  	s30 =	sld [smem:$0x0];
	_ =	sdelay $0x2  }
0x36: {  	s31 =	sshll.u32 s1, $0xD;
	s1 =	sshrl.u32 s1, $0x2  }
0x37: {  	s3 =	sand.u32 $0x4000, s31;
	s1 =	sadd.s32 s1, s30  }
0x38: {  	s0 =	sor.u32 s3, s0;
	s1 =	sshll.u32 s1, $0x11  }
0x39: {  	s0 =	sor.u32 s1, s0  }
0x3a: {  	s0 =	sadd.s32 $0x8F2B, s0  }
0x3b: {  	[sflag:s0] =	ssyncadd.remote.s32 $0x1  }
0x3c: {  	_ =	sfence.sel $0xFFFF  }
0x3d: {  	[dreg:$0x0] =	wrdreg $0xFFFFFFFF;
	(pc) =	sbr.abs _section_cstart, $3  }
0x3e: {  	[dreg:$0x1] =	wrdreg $0xFFFFFFFF  }
0x3f: {  	_ =	task.clear_ibuf [dreg:s7], $0x2FFFF;
	_ =	strace $0x9FFFFFFF  }
0x40: {  	(tm) =	ssettm $0x7FFFFFFF  }
0x41: {  	_ =	shalt  }
tec
execute0_lowered:
.L_overlay_start_1:
0x0: {  	(tag) =	ssettag $0x1  }
0x1: {  	s0 =	rddreg [dreg:$0x0];
	s1 =	srdreg.scid;
	_ =	strace $0x80000047  }
0x2: {  	s30 =	stileid.u32;
	s4 =	simm.s32 $0x1;
	s31 =	simm.s32 $0x2  }
0x3: {  	s16 =	simm.s32 $0x0;
	p0 =	por $0x0, $0x0;
	s14 =	simm.s32 $0x0  }
.Ltmp0:
0x4: {  	s15 =	simm.s32 $0x0;
	s7 =	simm.s32 $0x0;
	(pc) =	sbr.rel .LBB1_1-.Ltmp0, $4  }
0x5: {  	s9 =	simm.s32 $0x0;
	s10 =	simm.s32 $0x0;
	s29 =	sshll.u32 s1, $0x4  }
0x6: {  	s11 =	simm.s32 $0x0;
	s3 =	sadd.s32 $0x400, s0;
	s0 =	sand.u32 $0x10, s29  }
0x7: {  	s12 =	simm.s32 $0x0;
	[sflag:s4] =	ssyncpa.u1 $0x0;
	s5 =	sor.u32 s30, s0  }
0x8: {  	s8 =	simm.s32 $0x0;
	[sflag:s31] =	ssyncpa.u1 $0x0;
	s13 =	smov.u32 s5  }
.LBB1_9:
0x9: {  	s0 =	sshrl.u32 s10, $0x3;
	s6 =	smul.u32 $0x1020, s23  }
0xa: {  	s1 =	sshll.u32 s9, $0x3;
	s2 =	sshll.u32 s10, $0x7;
	s26 =	smul.u32 $0x3200, s7  }
0xb: {  	s21 =	sand.u32 $0x7F, s9;
	p1 =	sgt.s32 s9, $0x200;
	s0 =	smul.u32 $0x1400, s0  }
0xc: {  	s27 =	rddreg [dreg:$0x1];
	s31 =	simm.s32 $0x5000;
	s1 =	sand.u32 $0xFFFFFC00, s1  }
0xd: {  	s20 =	sand.u32 $0x380, s2;
	s0 =	sadd.s32 s0, s1;
	s1 =	smov.u32 s9  }
0xe: {  	s6 =	sor.u32 $0x2000, s6;
	s0 =	sor.u32 s20, s0;
	s1 =	simm.s32 @!p1 $0x200  }
0xf: {  	p1 =	sgt.s32 s7, $0xC8;
	s20 =	smov.u32 s7;
	s2 =	sor.u32 s21, s0  }
0x10: {  	s1 =	sadd.s32 s18, s1;
	s20 =	simm.s32 @!p1 $0xC8;
	s0 =	smulhi.u32 $0xCCCCCCCD, s0  }
0x11: {  	s22 =	smulhi.u32 $0xCCCCCCCD, s2;
	s19 =	sadd.s32 s19, s20;
	s23 =	sadd.s32 $0xFFFFFE00, s1  }
0x12: {  	s1 =	ssub.s32 $0x280, s1;
	p1 =	sgt.s32 s23, $0x7F;
	s24 =	ssub.s32 $0xC9, s19  }
0x13: {  	s19 =	sadd.s32 $0xFFFFFF38, s19;
	s20 =	smul.u32 $0x5, s24;
	s18 =	sshrl.u32 s22, $0x9  }
0x14: {  	s0 =	sshrl.u32 s0, $0x9;
	s1 =	simm.s32 @p1 $0x0;
	s25 =	smul.u32 $0x280, s18  }
0x15: {  	p1 =	sgt.s32 s19, $0x0;
	s0 =	sand.u32 $0x1F, s0;
	s1 =	smul.u32 s17, s1  }
0x16: {  	s0 =	smul.u32 $0x50, s0;
	s20 =	simm.s32 @p1 $0x0;
	s2 =	ssub.s32 s2, s25  }
0x17: {  	s17 =	sadd.s32 s27, s26;
	s1 =	smul.u32 s20, s1;
	s28 =	sand.u32 $0x7, s2  }
0x18: {  	s0 =	sadd.s32 s0, s17;
	s2 =	sshrl.u32 s2, $0x3;
	s29 =	sshll.u32 s28, $0x12  }
0x19: {  	s1 =	sand.u32 $0x3FFFFFFF, s1;
	s0 =	sadd.s32 s2, s0;
	s30 =	sor.u32 $0x80, s29  }
0x1a: {  	[hbm4b:s0+s30] =	stream.strided.scatter [tilespmem:s6], [sflag:$0x2], s1, s31, s30, $0x20;
	[tilespmem:$0x4040] =	vst v63  }
.LBB1_10:
0x1b: {  	p1 =	slt.u32 s8, $0x2  }
0x1c: {  	s0 =	smov.u32 s16;
	s6 =	smov.u32 s14;
	p2 =	sgt.s32 @!p1 s16, $0xC8  }
0x1d: {  	s17 =	smov.u32 s12;
	s1 =	sshra.s32 @!p1 s16, $0x1F;
	p2 =	por !p2, p1  }
0x1e: {  	s1 =	sand.u32 @!p1 s1, s16;
	s0 =	simm.s32 @p2 $0xC8;
	p2 =	sgt.s32 @!p1 s15, $0x1F  }
0x1f: {  	s0 =	ssub.s32 @!p1 s0, s1;
	p2 =	por !p2, p1;
	s1 =	smov.u32 s15  }
0x20: {  	s2 =	sshra.s32 @!p1 s15, $0x1F;
	s1 =	simm.s32 @p2 $0x1F;
	p2 =	sgt.s32 @!p1 s14, $0x200  }
0x21: {  	s2 =	sand.u32 @!p1 s2, s15;
	s15 =	sshra.s32 @!p1 s14, $0x1F;
	p2 =	por !p2, p1  }
0x22: {  	s1 =	ssub.s32 @!p1 s1, s2;
	s2 =	sand.u32 @!p1 s15, s14;
	s6 =	simm.s32 @p2 $0x200  }
0x23: {  	s14 =	sadd.s32 @!p1 $0xFFFFFF38, s0;
	s2 =	ssub.s32 @!p1 s6, s2;
	s6 =	sadd.s32 @!p1 $0xFFFFFFE1, s1  }
0x24: {  	s0 =	ssub.s32 @!p1 $0xC9, s0;
	p2 =	sgt.s32 @!p1 s6, $0x0;
	s6 =	sadd.s32 @!p1 $0xFFFFFE00, s2  }
0x25: {  	s1 =	ssub.s32 @!p1 $0x20, s1;
	p2 =	por !p2, p1;
	p3 =	sgt.s32 @!p1 s6, $0x7F  }
0x26: {  	s2 =	ssub.s32 @!p1 $0x280, s2;
	s1 =	simm.s32 @!p2 $0x0;
	p2 =	por !p3, p1  }
0x27: {  	s0 =	smul.u32 @!p1 $0x5, s0;
	p3 =	sgt.s32 @!p1 s14, $0x0;
	s2 =	simm.s32 @!p2 $0x0  }
0x28: {  	p2 =	por !p3, p1;
	s1 =	smul.u32 @!p1 s1, s2;
	s2 =	sadd.s32 $0x1, s11  }
0x29: {  	s6 =	sadd.s32 $0x80, s12;
	s0 =	simm.s32 @!p2 $0x0;
	p2 =	sgt.s32 s2, $0xC8  }
0x2a: {  	s0 =	smul.u32 @!p1 s0, s1;
	s17 =	smov.u32 @p2 s6  }
0x2b: {  	s1 =	sadd.s32 $0x20, s13;
	s6 =	smov.u32 s13;
	p3 =	sgt.s32 s17, $0x23F  }
0x2c: {  	s8 =	sadd.s32 $0x1, s8;
	p0 =	por !p0, !p0;
	s6 =	smov.u32 @p3 s1  }
0x2d: {  	s16 =	smov.u32 s7;
	s2 =	simm.s32 @p2 $0x0;
	p2 =	sgt.s32 s6, $0x1F  }
0x2e: {  	s7 =	smov.u32 s11;
	s6 =	smov.u32 @p2 s5;
	p2 =	sne.s32 s8, $0x3EF  }
.Ltmp1:
0x2f: {  	s15 =	smov.u32 s10;
	s10 =	smov.u32 s13;
	(pc) =	sbr.rel @!p2 .LBB1_11-.Ltmp1, $4  }
0x30: {  	s14 =	smov.u32 s9;
	s0 =	sand.u32 @!p1 $0x3FFFFFFF, s0;
	s1 =	simm.s32 @!p1 $0x2  }
0x31: {  	s9 =	smov.u32 s12;
	s11 =	smov.u32 s2;
	_ =	swait.ge @!p1 [sflag:s1], s0  }
0x32: {  	s17 =	simm.s32 @p3 $0x0;
	s0 =	ssub.s32 @!p1 $0x0, s0;
	[sflag:s1] =	ssyncset.done @!p1 $0x0  }
0x33: {  	s12 =	smov.u32 s17;
	[sflag:s1] =	ssyncadd.s32 @!p1 s0;
	s13 =	smov.u32 s6  }
.LBB1_1:
0x34: {  	p1 =	sgt.u32 s8, $0x3EC;
	s2 =	smov.u32 s13  }
0x35: {  	s18 =	smov.u32 s12;
	s0 =	sand.u32 @!p1 $0x1FFFFFF, s11;
	p2 =	sgt.s32 @!p1 s13, $0x1F  }
0x36: {  	s17 =	sshra.s32 @!p1 s13, $0x1F;
	s19 =	sshra.s32 @!p1 s12, $0x1F;
	p2 =	por !p2, p1  }
0x37: {  	s1 =	smulhi.u32 @!p1 $0x2762763, s0;
	s2 =	simm.s32 @p2 $0x1F;
	p2 =	sgt.s32 @!p1 s12, $0x1C0  }
0x38: {  	s17 =	sand.u32 @!p1 s17, s13;
	s19 =	sand.u32 @!p1 s19, s12;
	p2 =	por !p2, p1  }
0x39: {  	s1 =	sshrl.u32 @!p1 s1, $0x1;
	s2 =	ssub.s32 @!p1 s2, s17;
	s18 =	simm.s32 @p2 $0x1C0  }
0x3a: {  	p2 =	sgt.s32 @!p1 s11, $0xCF;
	s2 =	sadd.s32 @!p1 $0xFFFFFFE1, s2;
	s17 =	ssub.s32 @!p1 s18, s19  }
0x3b: {  	p2 =	por !p2, p1;
	s19 =	smov.u32 s11;
	s18 =	sadd.s32 @!p1 $0xFFFFFE40, s17  }
0x3c: {  	s19 =	simm.s32 @p2 $0xCF;
	p3 =	sgt.s32 @!p1 s18, $0x7F;
	s18 =	sshra.s32 @!p1 s11, $0x1F  }
0x3d: {  	p2 =	sgt.s32 @!p1 s2, $0x0;
	s2 =	sshll.u32 @!p1 s2, $0x5;
	s18 =	sand.u32 @!p1 s18, s11  }
0x3e: {  	s17 =	ssub.s32 @!p1 $0x240, s17;
	s2 =	ssub.s32 @!p1 $0x20, s2;
	s18 =	ssub.s32 @!p1 s19, s18  }
0x3f: {  	p2 =	por !p2, p1;
	p3 =	por !p3, p1;
	s19 =	sadd.s32 @!p1 $0xFFFFFF31, s18  }
0x40: {  	s2 =	simm.s32 @!p2 $0x0;
	s17 =	simm.s32 @!p3 $0x0;
	p3 =	sgt.s32 @!p1 s19, $0x0  }
0x41: {  	s18 =	ssub.s32 @!p1 $0xD0, s18;
	s2 =	smul.u32 @!p1 s17, s2;
	p2 =	por !p3, p1  }
0x42: {  	s1 =	smul.u32 @!p1 $0xD0, s1;
	s18 =	simm.s32 @!p2 $0x0  }
0x43: {  	s2 =	smul.u32 @!p1 s18, s2  }
0x44: {  	s18 =	smul.u32 @!p1 $0x1D4000, s13  }
0x45: {  	s0 =	ssub.s32 @!p1 s0, s1;
	s17 =	sxor.u32 @!p1 $0xFFFFFFFF, s8;
	s19 =	smul.u32 @!p1 $0xD00, s12  }
0x46: {  	s0 =	sshll.u32 @!p1 s0, $0x4;
	s17 =	sshll.u32 @!p1 s17, $0xC;
	s1 =	sadd.s32 @!p1 s3, s18  }
0x47: {  	s17 =	sand.u32 @!p1 $0x1000, s17;
	s2 =	sand.u32 @!p1 $0x3FFFFFE0, s2;
	s1 =	sadd.s32 @!p1 s19, s1  }
0x48: {  	s18 =	simm.s32 @!p1 $0x6800;
	s0 =	sadd.s32 @!p1 s0, s1;
	s1 =	simm.s32 @!p1 $0x20  }
0x49: {  	[tilespmem:s17], [sflag:$0x1] =	stream.strided.gather @!p1 [hbm4b:s0+s1], s2, s18, s1, $0x38;
	[tilespmem:$0x4040] =	vst v63  }
0x4a: {  	p1 =	seq.s32 s8, $0x0  }
0x4b: {  	p2 =	seq.s32 @!p1 s8, $0x3EE  }
0x4c: {  	p1 =	por p1, p2  }
.Ltmp2:
0x4d: {  	_ = 	snop;
	(pc) =	sbr.rel @p1 .LBB1_10-.Ltmp2, $1  }
0x4e: {  	_ =	sdelay $0x3  }
0x4f: {  	p1 =	sgt.s32 s10, $0x1F;
	s0 =	smov.u32 s10;
	s1 =	sshra.s32 s10, $0x1F  }
0x50: {  	s2 =	ssub.s32 $0x0, s9;
	s17 =	sshra.s32 s9, $0x1F;
	p2 =	sgt.s32 s9, $0x1C0  }
0x51: {  	s19 =	smov.u32 s9;
	s28 =	ssub.s32 $0x0, s7;
	s29 =	sshra.s32 s7, $0x1F  }
0x52: {  	s20 =	smov.u32 s7;
	s0 =	simm.s32 @!p1 $0x1F;
	s1 =	sand.u32 s1, s10  }
0x53: {  	s18 =	sand.u32 s2, s17;
	s19 =	simm.s32 @!p2 $0x1C0;
	p2 =	sgt.s32 s7, $0xCF  }
0x54: {  	s2 =	sadd.s32 $0x1, s10;
	s0 =	ssub.s32 s0, s1;
	s21 =	sadd.s32 s18, s19  }
0x55: {  	s19 =	sand.u32 s28, s29;
	s20 =	simm.s32 @!p2 $0xCF;
	s1 =	sadd.s32 $0xFFFFFFE1, s0  }
0x56: {  	s17 =	ssub.s32 $0x20, s0;
	s30 =	sadd.s32 $0xFFFFFE40, s21;
	s0 =	ssub.s32 $0x240, s21  }
0x57: {  	p1 =	sgt.s32 s1, $0x0;
	s1 =	sadd.s32 s19, s20;
	p2 =	sgt.s32 s30, $0x7F  }
0x58: {  	s31 =	sadd.s32 $0xFFFFFF31, s1;
	s17 =	simm.s32 @p1 $0x0;
	s0 =	simm.s32 @p2 $0x0  }
0x59: {  	s1 =	ssub.s32 $0xD0, s1;
	p1 =	sgt.s32 s31, $0x0;
	s0 =	smul.u32 s0, s17  }
0x5a: {  	s21 =	sadd.s32 $0x80, s9;
	s1 =	simm.s32 @p1 $0x0;
	p1 =	slt.s32 s2, $0x20  }
0x5b: {  	s0 =	smul.u32 s1, s0;
	s2 =	simm.s32 @!p1 $0x20;
	p1 =	slt.s32 s21, $0x240  }
0x5c: {  	s1 =	sadd.s32 $0x1, s7;
	s20 =	ssub.s32 s2, s10;
	s21 =	simm.s32 @!p1 $0x240  }
0x5d: {  	p2 =	slt.s32 s1, $0xC9;
	s21 =	ssub.s32 s21, s9;
	p1 =	slt.s32 s20, $0x1  }
0x5e: {  	s1 =	simm.s32 @!p2 $0xC9;
	p2 =	slt.s32 @!p1 s21, $0x1  }
0x5f: {  	s22 =	ssub.s32 s1, s7;
	p2 =	por p1, p2  }
0x60: {  	p3 =	slt.s32 @!p2 s22, $0x1  }
0x61: {  	p2 =	por p2, p3  }
.Ltmp3:
0x62: {  	s0 =	sshll.u32 s0, $0x5;
	(pc) =	sbr.rel @p2 .LBB1_9-.Ltmp3, $4  }
0x63: {  	s0 =	sand.u32 $0x3FFFFFE0, s0  }
0x64: {  	_ =	swait.ge [sflag:s4], s0  }
0x65: {  	s0 =	ssub.s32 $0x0, s0;
	[sflag:s4] =	ssyncset.done $0x0  }
0x66: {  	s23 =	sand.u32 $0x1, s8;
	[sflag:s4] =	ssyncadd.s32 s0  }
0x67: {  	s0 =	simm.s32 $0x1  }
0x68: {  	s0 =	simm.s32 @!p0 $0x0  }
0x69: {  	s0 =	smul.u32 $0x4080, s0;
	_ =	sdelay $0x1  }
0x6a: {  	s24 =	sshll.u32 @!p1 s23, $0xC;
	s0 =	sshrl.u32 s0, $0x2  }
0x6b: {  	s26 =	simm.s32 $0x0;
	s27 =	simm.s32 $0x0;
	s25 =	sor.u32 $0x2000, s0  }
.LBB1_4:
0x6c: {  	s0 =	sand.u32 $0x7, s26  }
0x6d: {  	s0 =	smul.u32 $0x204, s0  }
0x6e: {  	s1 =	sshll.u32 s27, $0xE  }
0x6f: {  	s30 =	simm.s32 $0x0;
	s1 =	sshra.s32 s1, $0x2;
	s0 =	sshrl.u32 s0, $0x2  }
0x70: {  	s31 =	simm.s32 $0x0;
	s28 =	sadd.s32 s1, s24;
	s29 =	sadd.s32 s0, s25  }
.LBB1_5:
0x71: {  	s0 =	sshll.u32 s31, $0x7  }
0x72: {  	s0 =	sshra.s32 s0, $0x2  }
0x73: {  	s0 =	sadd.s32 s0, s28  }
0x74: {  	v0 =	vmov s0;
	_ =	sdelay $0x2  }
0x75: {  	s6 =	simm.s32 $0x0;
	p1 =	sne.s32 s22, $0x1  }
.Ltmp4:
0x76: {  	s2 =	sand.u32 $0xE0, s6;
	(pc) =	sbr.rel @!p1 .LBB1_7-.Ltmp4, $3  }
0x77: {  	v1 =	vld.idx.msk [tilespmem:v0+s2+$0x0 ss:$0x1], $0xffff;
	_ =	sdelay $0x1  }
0x78: {  	s1 =	sand.u32 $0x7F, s30  }
0x79: {  	s0 =	sadd.s32 s1, s29;
	s1 =	sadd.s32 $0xFFFFFFFF, s22;
	s2 =	simm.s32 $0x20  }
.LBB1_6:
0x7a: {  	s6 =	sand.u32 $0xE0, s2;
	p1 =	sne.s32 s1, $0x1;
	s1 =	sadd.s32 $0xFFFFFFFF, s1  }
.Ltmp5:
0x7b: {  	[tilespmem:s0+$0x0 ss:$0x81] =	vst.msk $0xffff, v1;
	v1 =	vld.idx.msk [tilespmem:v0+s6+$0x0 ss:$0x1], $0xffff;
	(pc) =	sbr.rel @p1 .LBB1_6-.Ltmp5, $2  }
0x7c: {  	_ =	sdelay $0x2  }
0x7d: {  	s2 =	sadd.s32 $0x20, s2;
	s0 =	sadd.s32 $0x1020, s0  }
.LBB1_7:
0x7e: {  	s31 =	sadd.s32 $0x1, s31  }
0x7f: {  	p1 =	sne.s32 s31, s21  }
.Ltmp6:
0x80: {  	_ = 	snop;
	(pc) =	sbr.rel @p1 .LBB1_5-.Ltmp6, $2  }
0x81: {  	_ =	sdelay $0x2  }
0x82: {  	s30 =	sadd.s32 $0x1, s30;
	[tilespmem:s0+$0x0 ss:$0x81] =	vst.msk $0xffff, v1  }
0x83: {  	s27 =	sadd.s32 $0x1, s27  }
0x84: {  	p1 =	sne.s32 s27, s20  }
.Ltmp7:
0x85: {  	_ = 	snop;
	(pc) =	sbr.rel @p1 .LBB1_4-.Ltmp7, $4  }
.Ltmp8:
0x86: {  	_ = 	snop;
	(pc) =	sbr.rel @!p1 .LBB1_9-.Ltmp8, $4  }
0x87: {  	_ = 	snop  }
0x88: {  	_ = 	snop  }
0x89: {  	s26 =	sadd.s32 $0x1, s26  }
0x8a: {  	_ = 	snop  }
.LBB1_11:
0x8b: {  	_ =	sfence.sel $0x180000  }
0x8c: {  	s0 =	simm.s32 $0x1;
	[bflag:$0x0] =	sbarrier.arrive $0xFFFF  }
0x8d: {  	s30 =	simm.s32 $0x2;
	[sflag:s0] =	ssyncpa.u1 $0x1  }
0x8e: {  	[sflag:s30] =	ssyncpa.u1 $0x1  }
0x8f: {  	_ =	strace $0x90000047  }
0x90: {  	s31 =	stileid.u32;
	[bflag:$0x2] =	sbarrier.arrive $0xFFFF  }
0x91: {  	p0 =	sne.s32 s31, $0x0;
	s0 =	rddreg [dreg:$0x2]  }
0x92: {  	s0 =	sadd.s32 @!p0 $0x100000, s0  }
0x93: {  	[sflag:s0] =	ssyncadd.tile.s32 @!p0 $0x1;
	_ =	shalt  }
.Lfunc_end1:
_tile_overlayer_lowered:
.L_overlay_start_2:
0x94: {  	(tag) =	ssettag $0x2  }
0x95: {  	s0 =	rddreg [dreg:$0x0];
	s2 =	stileid.u32  }
0x96: {  	s1 =	rddreg [dreg:$0x1];
	p0 =	sne.s32 s2, $0x0  }
0x97: {  	s3 =	rddreg [dreg:$0x2];
	[bflag:$0x3] =	sbarrier.arrive $0xFFFF;
	s2 =	simm.s32 @!p0 $0x1C01  }
0x98: {  	[timem:s3], [sflag:s2] =	dma.local @!p0 [hbm:s0], s1  }
0x99: {  	s0 =	simm.s32 @!p0 $0x1  }
0x9a: {  	_ =	swait.ge @!p0 [sflag:s0], s1  }
0x9b: {  	s1 =	ssub.s32 @!p0 $0x0, s1;
	[sflag:s0] =	ssyncset.done @!p0 $0x0  }
0x9c: {  	[sflag:s0] =	ssyncadd.s32 @!p0 s1  }
0x9d: {  	[bflag:$0x3] =	sbarrier.arrive $0xFFFF  }
0x9e: {  	_ =	shalt  }

</sc_bundles>
